<compile_context>
chip_gen: v7x
topology: tpu7x:2x2x1
jax: 0.10.2.dev20260603
libtpu: 0.0.44.dev20260713+nightly
codegen_flags: <defaults>
</compile_context>

<pallas_src>
import functools

import jax
import jax.numpy as jnp
from jax import lax
from jax.experimental import pallas as pl
from jax.experimental.pallas import tpu as pltpu
from jax.experimental.pallas import tpu_sc as plsc

NUM_CORES = 2
NUM_SUBCORES = 16
NUM_WORKERS = NUM_CORES * NUM_SUBCORES
LANES = 16


@jax.jit
def _bow_encode(input_ids, emb_weight):
    B, S = input_ids.shape
    V, E = emb_weight.shape
    b_per_w = B // NUM_WORKERS
    n_chunks = 5
    chunk = S // n_chunks
    n_col = E // LANES

    mesh = plsc.VectorSubcoreMesh(
        core_axis_name="c", subcore_axis_name="s",
        num_cores=NUM_CORES, num_subcores=NUM_SUBCORES,
    )

    @functools.partial(
        pl.kernel,
        out_type=jax.ShapeDtypeStruct((B, E), jnp.float32),
        mesh=mesh,
        scratch_types=[
            pltpu.VMEM((b_per_w, S), jnp.int32),
            pltpu.VMEM((S, E), jnp.float32),
            pltpu.VMEM((S, E), jnp.float32),
            pltpu.VMEM((b_per_w, E), jnp.float32),
            pltpu.SemaphoreType.DMA,
            pltpu.SemaphoreType.DMA,
        ],
        compiler_params=pltpu.CompilerParams(use_tc_tiling_on_sc=False),
    )
    def bow_kernel(idx_hbm, table_hbm, out_hbm, idx_v, buf0, buf1, out_v,
                   sem0, sem1):
        wid = lax.axis_index("s") * NUM_CORES + lax.axis_index("c")
        base = wid * b_per_w
        pltpu.sync_copy(idx_hbm.at[pl.ds(base, b_per_w), :], idx_v)

        bufs = (buf0, buf1)
        sems = (sem0, sem1)

        def fire(b, p):
            for j in range(n_chunks):
                pltpu.async_copy(
                    table_hbm.at[idx_v.at[b, pl.ds(j * chunk, chunk)]],
                    bufs[p].at[pl.ds(j * chunk, chunk), :],
                    sems[p],
                )

        def drain(p):
            pltpu.make_async_copy(
                table_hbm.at[pl.ds(0, S), :], bufs[p], sems[p]).wait()

        def reduce(p, b):
            buf = bufs[p]

            def body(s, accs):
                return tuple(
                    jnp.maximum(a, buf[s, pl.ds(j * LANES, LANES)])
                    for j, a in enumerate(accs)
                )

            accs = tuple(buf[0, pl.ds(j * LANES, LANES)] for j in range(n_col))
            accs = lax.fori_loop(1, S, body, accs, unroll=4)
            for j in range(n_col):
                out_v[b, pl.ds(j * LANES, LANES)] = accs[j]

        fire(0, 0)

        def pair_body(i):
            b0 = 2 * i
            fire(b0 + 1, 1)
            drain(0)
            reduce(0, b0)
            fire(b0 + 2, 0)
            drain(1)
            reduce(1, b0 + 1)

        pl.loop(0, b_per_w // 2 - 1)(pair_body)

        b0 = b_per_w - 2
        fire(b0 + 1, 1)
        drain(0)
        reduce(0, b0)
        drain(1)
        reduce(1, b0 + 1)

        pltpu.sync_copy(out_v, out_hbm.at[pl.ds(base, b_per_w), :])

    return bow_kernel(input_ids, emb_weight)


_BLK = 8192


@jax.jit
def _relayout(embT):
    E, V = embT.shape
    nfull = V // _BLK
    tail = (V - nfull * _BLK) // 128 * 128
    rag = V - nfull * _BLK - tail

    def body(x_hbm, patch_hbm, out_hbm, x0, x1, y0, y1, si0, si1, so0, so1):
        xs, ys = (x0, x1), (y0, y1)
        sis, sos = (si0, si1), (so0, so1)

        rows = lax.broadcasted_iota(jnp.int32, (E, E), 0)
        cols = lax.broadcasted_iota(jnp.int32, (E, E), 1)
        eye = (rows == cols).astype(jnp.float32)

        def fire_in(b, p):
            pltpu.async_copy(
                x_hbm.at[:, pl.ds(b * _BLK, _BLK)], xs[p], sis[p])

        def wait_in(p):
            pltpu.make_async_copy(
                x_hbm.at[:, pl.ds(0, _BLK)], xs[p], sis[p]).wait()

        def step(b, p, first):
            wait_in(p)
            y = xs[p][...].T
            @pl.when(jnp.logical_not(first))
            def _():
                pltpu.make_async_copy(
                    ys[p], out_hbm.at[pl.ds(0, _BLK), :], sos[p]).wait()
            ys[p][:, :E] = y
            ys[p][:, E:] = jnp.zeros((_BLK, E), jnp.float32)
            pltpu.async_copy(
                ys[p], out_hbm.at[pl.ds(b * _BLK, _BLK), :], sos[p])

        fire_in(0, 0)
        fire_in(1, 1)

        def pair(i):
            b0 = 2 * i
            step(b0, 0, i == 0)
            @pl.when(b0 + 2 < nfull)
            def _():
                fire_in(b0 + 2, 0)
            step(b0 + 1, 1, i == 0)
            @pl.when(b0 + 3 < nfull)
            def _():
                fire_in(b0 + 3, 1)

        pl.loop(0, nfull // 2)(pair)

        base = nfull * _BLK
        pltpu.async_copy(
            x_hbm.at[:, pl.ds(base, tail)], xs[1].at[:, pl.ds(0, tail)], si1)
        pltpu.make_async_copy(
            x_hbm.at[:, pl.ds(0, tail)], xs[1].at[:, pl.ds(0, tail)],
            si1).wait()
        yt = xs[1][:, pl.ds(0, tail)].T
        pltpu.make_async_copy(
            ys[1], out_hbm.at[pl.ds(0, _BLK), :], so1).wait()
        ys[1][:tail, :E] = yt
        ys[1][:tail, E:] = jnp.zeros((tail, E), jnp.float32)
        pltpu.async_copy(
            ys[1].at[pl.ds(0, tail), :], out_hbm.at[pl.ds(base, tail), :],
            so1)
        pltpu.sync_copy(patch_hbm, out_hbm.at[pl.ds(base + tail, rag), :])
        pltpu.make_async_copy(
            ys[0], out_hbm.at[pl.ds(0, _BLK), :], so0).wait()
        pltpu.make_async_copy(
            ys[1].at[pl.ds(0, tail), :], out_hbm.at[pl.ds(0, tail), :],
            so1).wait()

    patch = jnp.pad(
        jax.lax.dot_general(
            embT[:, V - rag:], jnp.eye(E, dtype=jnp.float32),
            (((0,), (0,)), ((), ())),
            precision=jax.lax.Precision.HIGHEST),
        ((0, 0), (0, E)))
    out = pl.pallas_call(
        body,
        in_specs=[pl.BlockSpec(memory_space=pl.ANY),
                  pl.BlockSpec(memory_space=pl.ANY)],
        out_specs=pl.BlockSpec(memory_space=pl.ANY),
        out_shape=jax.ShapeDtypeStruct((V, 2 * E), jnp.float32),
        scratch_shapes=[
            pltpu.VMEM((E, _BLK), jnp.float32),
            pltpu.VMEM((E, _BLK), jnp.float32),
            pltpu.VMEM((_BLK, 2 * E), jnp.float32),
            pltpu.VMEM((_BLK, 2 * E), jnp.float32),
            pltpu.SemaphoreType.DMA,
            pltpu.SemaphoreType.DMA,
            pltpu.SemaphoreType.DMA,
            pltpu.SemaphoreType.DMA,
        ],
    )(embT, patch)
    return out.reshape(2 * V, E)


def kernel(input, emb_weight):
    emb2 = _relayout(emb_weight.T)
    return _bow_encode(input.astype(jnp.int32) * 2, emb2)

# --- scband reference (transcript-rebuilt; emitter-appended) ---
"""Pipeline reference for scband-bowencoder-9749575762578 (READ-ONLY COPY).

The authoritative reference and input builder live on the scoring server;
editing this copy changes nothing except your own understanding.
"""

import jax, jax.numpy as jnp
import numpy as np

VOCAB = 1000000
EMB = 64
BATCH = 4096
SEQ = 200

def setup_inputs(seed: int = 0) -> dict:
    key = jax.random.key(seed)
    k_idx, k_emb = jax.random.split(key)
    input_ids = jax.random.randint(k_idx, (BATCH, SEQ), 0, VOCAB, dtype=jnp.int64 if jax.config.jax_enable_x64 else jnp.int32)
    emb_weight = jax.random.uniform(k_emb, (VOCAB, EMB), dtype=jnp.float32, minval=-0.1, maxval=0.1)
    emb_weight = emb_weight.at[0].set(0.0)
    return {"input": input_ids, "emb_weight": emb_weight}

def reference(input, emb_weight):
    # embedding lookup (gather)
    embedded = jnp.take(emb_weight, input, axis=0)  # [B, S, E]
    # F.dropout(p=0.25, training=False) is identity in eval mode
    # MaxPool1d over full seq_len == max over sequence dimension
    encoding = jnp.max(embedded, axis=1)  # [B, E]
    return encoding

if __name__ == "__main__":
    import jax
    _d = setup_inputs()
    print(jax.jit(kernel)(*tuple(_d.values())))

</pallas_src>

<mosaic_0001>
module attributes {stable_mosaic.version = 14 : i64} {
  func.func @body(%arg0: memref<64x1000000xf32, #tpu.memory_space<any>>, %arg1: memref<64x128xf32, #tpu.memory_space<any>>, %arg2: memref<1000000x128xf32, #tpu.memory_space<any>>, %arg3: memref<64x8192xf32, #tpu.memory_space<vmem>>, %arg4: memref<64x8192xf32, #tpu.memory_space<vmem>>, %arg5: memref<8192x128xf32, #tpu.memory_space<vmem>>, %arg6: memref<8192x128xf32, #tpu.memory_space<vmem>>, %arg7: memref<!tpu.dma_semaphore, #tpu.memory_space<semaphore_mem>>, %arg8: memref<!tpu.dma_semaphore, #tpu.memory_space<semaphore_mem>>, %arg9: memref<!tpu.dma_semaphore, #tpu.memory_space<semaphore_mem>>, %arg10: memref<!tpu.dma_semaphore, #tpu.memory_space<semaphore_mem>>) attributes {dimension_semantics = [], scalar_prefetch = 0 : i64, scratch_operands = 8 : i64, tpu.core_type = #tpu.core_type<tc>} {
    %dma_start3A = arith.constant 0 : i32
    %dma_start3A_0 = arith.constant 0 : i32
    %dma_start3A_1 = tpu.memref_slice %arg0[%dma_start3A, %dma_start3A_0] : memref<64x1000000xf32, #tpu.memory_space<any>> -> memref<64x8192xf32, #tpu.memory_space<any>>
    tpu.enqueue_dma source(%dma_start3A_1 : memref<64x8192xf32, #tpu.memory_space<any>>) target(%arg3 : memref<64x8192xf32, #tpu.memory_space<vmem>>) target_semaphore(%arg7 : memref<!tpu.dma_semaphore, #tpu.memory_space<semaphore_mem>>)
    %dma_start3A_2 = arith.constant 0 : i32
    %dma_start3A_3 = arith.constant 8192 : i32
    %dma_start3A_4 = tpu.memref_slice %arg0[%dma_start3A_2, %dma_start3A_3] : memref<64x1000000xf32, #tpu.memory_space<any>> -> memref<64x8192xf32, #tpu.memory_space<any>>
    tpu.enqueue_dma source(%dma_start3A_4 : memref<64x8192xf32, #tpu.memory_space<any>>) target(%arg4 : memref<64x8192xf32, #tpu.memory_space<vmem>>) target_semaphore(%arg8 : memref<!tpu.dma_semaphore, #tpu.memory_space<semaphore_mem>>)
    %scan3A = arith.constant 0 : i32
    %scan3A_5 = arith.constant 61 : i32
    %scan3A_6 = arith.addi %scan3A, %scan3A_5 : i32
    %scan3A_7 = arith.constant 1 : i32
    scf.for %scan3A_46 = %scan3A to %scan3A_6 step %scan3A_7  : i32 {
      %mul3A = arith.constant 1 : i32
      %mul3A_47 = arith.muli %scan3A_46, %mul3A : i32
      %add3A = arith.constant 0 : i32
      %add3A_48 = arith.addi %add3A, %mul3A_47 : i32
      %mul3A_49 = arith.constant 2 : i32
      %mul3A_50 = arith.muli %mul3A_49, %add3A_48 : i32
      %eq3A = arith.constant 0 : i32
      %eq3A_51 = arith.cmpi eq, %add3A_48, %eq3A : i32
      %dma_wait3A_52 = arith.constant 0 : i32
      %dma_wait3A_53 = arith.constant 0 : i32
      %dma_wait3A_54 = tpu.memref_slice %arg0[%dma_wait3A_52, %dma_wait3A_53] : memref<64x1000000xf32, #tpu.memory_space<any>> -> memref<64x8192xf32, #tpu.memory_space<any>>
      tpu.wait_dma2 semaphore(%arg7 : memref<!tpu.dma_semaphore, #tpu.memory_space<semaphore_mem>>) src(%dma_wait3A_54 : memref<64x8192xf32, #tpu.memory_space<any>>) dst(%arg3 : memref<64x8192xf32, #tpu.memory_space<vmem>>)
      %get3A_55 = arith.constant 0 : index
      %get3A_56 = arith.constant 0 : index
      %get3A_57 = vector.load %arg3[%get3A_55, %get3A_56] : memref<64x8192xf32, #tpu.memory_space<vmem>>, vector<64x8192xf32>
      %transpose3A_58 = tpu.transpose %get3A_57, [1, 0] : vector<64x8192xf32> -> vector<8192x64xf32>
      %not3A = arith.constant true
      %not3A_59 = arith.xori %eq3A_51, %not3A : i1
      %convert_element_type3A = arith.extui %not3A_59 : i1 to i32
      %cond3A = arith.constant 0 : i32
      %cond3A_60 = arith.cmpi ne, %convert_element_type3A, %cond3A : i32
      scf.if %cond3A_60 {
        %dma_wait3A_114 = arith.constant 0 : i32
        %dma_wait3A_115 = arith.constant 0 : i32
        %dma_wait3A_116 = tpu.memref_slice %arg2[%dma_wait3A_114, %dma_wait3A_115] : memref<1000000x128xf32, #tpu.memory_space<any>> -> memref<8192x128xf32, #tpu.memory_space<any>>
        tpu.wait_dma2 semaphore(%arg9 : memref<!tpu.dma_semaphore, #tpu.memory_space<semaphore_mem>>) src(%arg5 : memref<8192x128xf32, #tpu.memory_space<vmem>>) dst(%dma_wait3A_116 : memref<8192x128xf32, #tpu.memory_space<any>>)
      } else {
      }
      %swap3A_61 = arith.constant 0 : index
      %swap3A_62 = arith.constant 0 : index
      %swap3A_63 = vector.load %arg5[%swap3A_61, %swap3A_62] : memref<8192x128xf32, #tpu.memory_space<vmem>>, vector<8192x64xf32>
      tpu.vector_store %arg5[%swap3A_61, %swap3A_62], %transpose3A_58 {strides = array<i32>} : memref<8192x128xf32, #tpu.memory_space<vmem>>, vector<8192x64xf32>,
      %broadcast_in_dim3A_64 = arith.constant 0.000000e+00 : f32
      %broadcast_in_dim3A_65 = vector.broadcast %broadcast_in_dim3A_64 : f32 to vector<8192x64xf32>
      %swap3A_66 = arith.constant 0 : index
      %swap3A_67 = arith.constant 64 : index
      %swap3A_68 = vector.load %arg5[%swap3A_66, %swap3A_67] : memref<8192x128xf32, #tpu.memory_space<vmem>>, vector<8192x64xf32>
      tpu.vector_store %arg5[%swap3A_66, %swap3A_67], %broadcast_in_dim3A_65 {strides = array<i32>} : memref<8192x128xf32, #tpu.memory_space<vmem>>, vector<8192x64xf32>,
      %mul3A_69 = arith.constant 8192 : i32
      %mul3A_70 = arith.muli %mul3A_50, %mul3A_69 : i32
      %dma_start3A_71 = arith.constant 0 : i32
      %dma_start3A_72 = tpu.memref_slice %arg2[%mul3A_70, %dma_start3A_71] : memref<1000000x128xf32, #tpu.memory_space<any>> -> memref<8192x128xf32, #tpu.memory_space<any>>
      tpu.enqueue_dma source(%arg5 : memref<8192x128xf32, #tpu.memory_space<vmem>>) target(%dma_start3A_72 : memref<8192x128xf32, #tpu.memory_space<any>>) target_semaphore(%arg9 : memref<!tpu.dma_semaphore, #tpu.memory_space<semaphore_mem>>)
      %add3A_73 = arith.constant 2 : i32
      %add3A_74 = arith.addi %mul3A_50, %add3A_73 : i32
      %lt3A = arith.constant 122 : i32
      %lt3A_75 = arith.cmpi slt, %add3A_74, %lt3A : i32
      %convert_element_type3A_76 = arith.extui %lt3A_75 : i1 to i32
      %cond3A_77 = arith.constant 0 : i32
      %cond3A_78 = arith.cmpi ne, %convert_element_type3A_76, %cond3A_77 : i32
      scf.if %cond3A_78 {
        %add3A_114 = arith.constant 2 : i32
        %add3A_115 = arith.addi %mul3A_50, %add3A_114 : i32
        %mul3A_116 = arith.constant 8192 : i32
        %mul3A_117 = arith.muli %add3A_115, %mul3A_116 : i32
        %dma_start3A_118 = arith.constant 0 : i32
        %dma_start3A_119 = tpu.memref_slice %arg0[%dma_start3A_118, %mul3A_117] : memref<64x1000000xf32, #tpu.memory_space<any>> -> memref<64x8192xf32, #tpu.memory_space<any>>
        tpu.enqueue_dma source(%dma_start3A_119 : memref<64x8192xf32, #tpu.memory_space<any>>) target(%arg3 : memref<64x8192xf32, #tpu.memory_space<vmem>>) target_semaphore(%arg7 : memref<!tpu.dma_semaphore, #tpu.memory_space<semaphore_mem>>)
      } else {
      }
      %add3A_79 = arith.constant 1 : i32
      %add3A_80 = arith.addi %mul3A_50, %add3A_79 : i32
      %eq3A_81 = arith.constant 0 : i32
      %eq3A_82 = arith.cmpi eq, %add3A_48, %eq3A_81 : i32
      %dma_wait3A_83 = arith.constant 0 : i32
      %dma_wait3A_84 = arith.constant 0 : i32
      %dma_wait3A_85 = tpu.memref_slice %arg0[%dma_wait3A_83, %dma_wait3A_84] : memref<64x1000000xf32, #tpu.memory_space<any>> -> memref<64x8192xf32, #tpu.memory_space<any>>
      tpu.wait_dma2 semaphore(%arg8 : memref<!tpu.dma_semaphore, #tpu.memory_space<semaphore_mem>>) src(%dma_wait3A_85 : memref<64x8192xf32, #tpu.memory_space<any>>) dst(%arg4 : memref<64x8192xf32, #tpu.memory_space<vmem>>)
      %get3A_86 = arith.constant 0 : index
      %get3A_87 = arith.constant 0 : index
      %get3A_88 = vector.load %arg4[%get3A_86, %get3A_87] : memref<64x8192xf32, #tpu.memory_space<vmem>>, vector<64x8192xf32>
      %transpose3A_89 = tpu.transpose %get3A_88, [1, 0] : vector<64x8192xf32> -> vector<8192x64xf32>
      %not3A_90 = arith.constant true
      %not3A_91 = arith.xori %eq3A_82, %not3A_90 : i1
      %convert_element_type3A_92 = arith.extui %not3A_91 : i1 to i32
      %cond3A_93 = arith.constant 0 : i32
      %cond3A_94 = arith.cmpi ne, %convert_element_type3A_92, %cond3A_93 : i32
      scf.if %cond3A_94 {
        %dma_wait3A_114 = arith.constant 0 : i32
        %dma_wait3A_115 = arith.constant 0 : i32
        %dma_wait3A_116 = tpu.memref_slice %arg2[%dma_wait3A_114, %dma_wait3A_115] : memref<1000000x128xf32, #tpu.memory_space<any>> -> memref<8192x128xf32, #tpu.memory_space<any>>
        tpu.wait_dma2 semaphore(%arg10 : memref<!tpu.dma_semaphore, #tpu.memory_space<semaphore_mem>>) src(%arg6 : memref<8192x128xf32, #tpu.memory_space<vmem>>) dst(%dma_wait3A_116 : memref<8192x128xf32, #tpu.memory_space<any>>)
      } else {
      }
      %swap3A_95 = arith.constant 0 : index
      %swap3A_96 = arith.constant 0 : index
      %swap3A_97 = vector.load %arg6[%swap3A_95, %swap3A_96] : memref<8192x128xf32, #tpu.memory_space<vmem>>, vector<8192x64xf32>
      tpu.vector_store %arg6[%swap3A_95, %swap3A_96], %transpose3A_89 {strides = array<i32>} : memref<8192x128xf32, #tpu.memory_space<vmem>>, vector<8192x64xf32>,
      %broadcast_in_dim3A_98 = arith.constant 0.000000e+00 : f32
      %broadcast_in_dim3A_99 = vector.broadcast %broadcast_in_dim3A_98 : f32 to vector<8192x64xf32>
      %swap3A_100 = arith.constant 0 : index
      %swap3A_101 = arith.constant 64 : index
      %swap3A_102 = vector.load %arg6[%swap3A_100, %swap3A_101] : memref<8192x128xf32, #tpu.memory_space<vmem>>, vector<8192x64xf32>
      tpu.vector_store %arg6[%swap3A_100, %swap3A_101], %broadcast_in_dim3A_99 {strides = array<i32>} : memref<8192x128xf32, #tpu.memory_space<vmem>>, vector<8192x64xf32>,
      %mul3A_103 = arith.constant 8192 : i32
      %mul3A_104 = arith.muli %add3A_80, %mul3A_103 : i32
      %dma_start3A_105 = arith.constant 0 : i32
      %dma_start3A_106 = tpu.memref_slice %arg2[%mul3A_104, %dma_start3A_105] : memref<1000000x128xf32, #tpu.memory_space<any>> -> memref<8192x128xf32, #tpu.memory_space<any>>
      tpu.enqueue_dma source(%arg6 : memref<8192x128xf32, #tpu.memory_space<vmem>>) target(%dma_start3A_106 : memref<8192x128xf32, #tpu.memory_space<any>>) target_semaphore(%arg10 : memref<!tpu.dma_semaphore, #tpu.memory_space<semaphore_mem>>)
      %add3A_107 = arith.constant 3 : i32
      %add3A_108 = arith.addi %mul3A_50, %add3A_107 : i32
      %lt3A_109 = arith.constant 122 : i32
      %lt3A_110 = arith.cmpi slt, %add3A_108, %lt3A_109 : i32
      %convert_element_type3A_111 = arith.extui %lt3A_110 : i1 to i32
      %cond3A_112 = arith.constant 0 : i32
      %cond3A_113 = arith.cmpi ne, %convert_element_type3A_111, %cond3A_112 : i32
      scf.if %cond3A_113 {
        %add3A_114 = arith.constant 3 : i32
        %add3A_115 = arith.addi %mul3A_50, %add3A_114 : i32
        %mul3A_116 = arith.constant 8192 : i32
        %mul3A_117 = arith.muli %add3A_115, %mul3A_116 : i32
        %dma_start3A_118 = arith.constant 0 : i32
        %dma_start3A_119 = tpu.memref_slice %arg0[%dma_start3A_118, %mul3A_117] : memref<64x1000000xf32, #tpu.memory_space<any>> -> memref<64x8192xf32, #tpu.memory_space<any>>
        tpu.enqueue_dma source(%dma_start3A_119 : memref<64x8192xf32, #tpu.memory_space<any>>) target(%arg4 : memref<64x8192xf32, #tpu.memory_space<vmem>>) target_semaphore(%arg8 : memref<!tpu.dma_semaphore, #tpu.memory_space<semaphore_mem>>)
      } else {
      }
    }
    %scan3A_8 = arith.constant 61 : i32
    %dma_start3A_9 = arith.constant 0 : i32
    %dma_start3A_10 = arith.constant 0 : i32
    %dma_start3A_11 = tpu.memref_slice %arg4[%dma_start3A_9, %dma_start3A_10] : memref<64x8192xf32, #tpu.memory_space<vmem>> -> memref<64x512xf32, #tpu.memory_space<vmem>>
    %dma_start3A_12 = arith.constant 0 : i32
    %dma_start3A_13 = arith.constant 999424 : i32
    %dma_start3A_14 = tpu.memref_slice %arg0[%dma_start3A_12, %dma_start3A_13] : memref<64x1000000xf32, #tpu.memory_space<any>> -> memref<64x512xf32, #tpu.memory_space<any>>
    tpu.enqueue_dma source(%dma_start3A_14 : memref<64x512xf32, #tpu.memory_space<any>>) target(%dma_start3A_11 : memref<64x512xf32, #tpu.memory_space<vmem>>) target_semaphore(%arg8 : memref<!tpu.dma_semaphore, #tpu.memory_space<semaphore_mem>>)
    %dma_wait3A = arith.constant 0 : i32
    %dma_wait3A_15 = arith.constant 0 : i32
    %dma_wait3A_16 = tpu.memref_slice %arg4[%dma_wait3A, %dma_wait3A_15] : memref<64x8192xf32, #tpu.memory_space<vmem>> -> memref<64x512xf32, #tpu.memory_space<vmem>>
    %dma_wait3A_17 = arith.constant 0 : i32
    %dma_wait3A_18 = arith.constant 0 : i32
    %dma_wait3A_19 = tpu.memref_slice %arg0[%dma_wait3A_17, %dma_wait3A_18] : memref<64x1000000xf32, #tpu.memory_space<any>> -> memref<64x512xf32, #tpu.memory_space<any>>
    tpu.wait_dma2 semaphore(%arg8 : memref<!tpu.dma_semaphore, #tpu.memory_space<semaphore_mem>>) src(%dma_wait3A_19 : memref<64x512xf32, #tpu.memory_space<any>>) dst(%dma_wait3A_16 : memref<64x512xf32, #tpu.memory_space<vmem>>)
    %get3A = arith.constant 0 : index
    %get3A_20 = arith.constant 0 : index
    %get3A_21 = vector.load %arg4[%get3A, %get3A_20] : memref<64x8192xf32, #tpu.memory_space<vmem>>, vector<64x512xf32>
    %transpose3A = tpu.transpose %get3A_21, [1, 0] : vector<64x512xf32> -> vector<512x64xf32>
    %dma_wait3A_22 = arith.constant 0 : i32
    %dma_wait3A_23 = arith.constant 0 : i32
    %dma_wait3A_24 = tpu.memref_slice %arg2[%dma_wait3A_22, %dma_wait3A_23] : memref<1000000x128xf32, #tpu.memory_space<any>> -> memref<8192x128xf32, #tpu.memory_space<any>>
    tpu.wait_dma2 semaphore(%arg10 : memref<!tpu.dma_semaphore, #tpu.memory_space<semaphore_mem>>) src(%arg6 : memref<8192x128xf32, #tpu.memory_space<vmem>>) dst(%dma_wait3A_24 : memref<8192x128xf32, #tpu.memory_space<any>>)
    %swap3A = arith.constant 0 : index
    %swap3A_25 = arith.constant 0 : index
    %swap3A_26 = vector.load %arg6[%swap3A, %swap3A_25] : memref<8192x128xf32, #tpu.memory_space<vmem>>, vector<512x64xf32>
    tpu.vector_store %arg6[%swap3A, %swap3A_25], %transpose3A {strides = array<i32>} : memref<8192x128xf32, #tpu.memory_space<vmem>>, vector<512x64xf32>,
    %broadcast_in_dim3A = arith.constant 0.000000e+00 : f32
    %broadcast_in_dim3A_27 = vector.broadcast %broadcast_in_dim3A : f32 to vector<512x64xf32>
    %swap3A_28 = arith.constant 0 : index
    %swap3A_29 = arith.constant 64 : index
    %swap3A_30 = vector.load %arg6[%swap3A_28, %swap3A_29] : memref<8192x128xf32, #tpu.memory_space<vmem>>, vector<512x64xf32>
    tpu.vector_store %arg6[%swap3A_28, %swap3A_29], %broadcast_in_dim3A_27 {strides = array<i32>} : memref<8192x128xf32, #tpu.memory_space<vmem>>, vector<512x64xf32>,
    %dma_start3A_31 = arith.constant 999424 : i32
    %dma_start3A_32 = arith.constant 0 : i32
    %dma_start3A_33 = tpu.memref_slice %arg2[%dma_start3A_31, %dma_start3A_32] : memref<1000000x128xf32, #tpu.memory_space<any>> -> memref<512x128xf32, #tpu.memory_space<any>>
    %dma_start3A_34 = arith.constant 0 : i32
    %dma_start3A_35 = arith.constant 0 : i32
    %dma_start3A_36 = tpu.memref_slice %arg6[%dma_start3A_34, %dma_start3A_35] : memref<8192x128xf32, #tpu.memory_space<vmem>> -> memref<512x128xf32, #tpu.memory_space<vmem>>
    tpu.enqueue_dma source(%dma_start3A_36 : memref<512x128xf32, #tpu.memory_space<vmem>>) target(%dma_start3A_33 : memref<512x128xf32, #tpu.memory_space<any>>) target_semaphore(%arg10 : memref<!tpu.dma_semaphore, #tpu.memory_space<semaphore_mem>>)
    "tpu.region"() ({
      %run_scoped3A = tpu.sem_alloc : memref<!tpu.dma_semaphore, #tpu.memory_space<semaphore_mem>>
      %dma_start3A_46 = arith.constant 999936 : i32
      %dma_start3A_47 = arith.constant 0 : i32
      %dma_start3A_48 = tpu.memref_slice %arg2[%dma_start3A_46, %dma_start3A_47] : memref<1000000x128xf32, #tpu.memory_space<any>> -> memref<64x128xf32, #tpu.memory_space<any>>
      tpu.enqueue_dma source(%arg1 : memref<64x128xf32, #tpu.memory_space<any>>) target(%dma_start3A_48 : memref<64x128xf32, #tpu.memory_space<any>>) target_semaphore(%run_scoped3A : memref<!tpu.dma_semaphore, #tpu.memory_space<semaphore_mem>>)
      %dma_wait3A_49 = arith.constant 999936 : i32
      %dma_wait3A_50 = arith.constant 0 : i32
      %dma_wait3A_51 = tpu.memref_slice %arg2[%dma_wait3A_49, %dma_wait3A_50] : memref<1000000x128xf32, #tpu.memory_space<any>> -> memref<64x128xf32, #tpu.memory_space<any>>
      tpu.wait_dma2 semaphore(%run_scoped3A : memref<!tpu.dma_semaphore, #tpu.memory_space<semaphore_mem>>) src(%arg1 : memref<64x128xf32, #tpu.memory_space<any>>) dst(%dma_wait3A_51 : memref<64x128xf32, #tpu.memory_space<any>>)
      tpu.yield
    }) : () -> ()
    %dma_wait3A_37 = arith.constant 0 : i32
    %dma_wait3A_38 = arith.constant 0 : i32
    %dma_wait3A_39 = tpu.memref_slice %arg2[%dma_wait3A_37, %dma_wait3A_38] : memref<1000000x128xf32, #tpu.memory_space<any>> -> memref<8192x128xf32, #tpu.memory_space<any>>
    tpu.wait_dma2 semaphore(%arg9 : memref<!tpu.dma_semaphore, #tpu.memory_space<semaphore_mem>>) src(%arg5 : memref<8192x128xf32, #tpu.memory_space<vmem>>) dst(%dma_wait3A_39 : memref<8192x128xf32, #tpu.memory_space<any>>)
    %dma_wait3A_40 = arith.constant 0 : i32
    %dma_wait3A_41 = arith.constant 0 : i32
    %dma_wait3A_42 = tpu.memref_slice %arg2[%dma_wait3A_40, %dma_wait3A_41] : memref<1000000x128xf32, #tpu.memory_space<any>> -> memref<512x128xf32, #tpu.memory_space<any>>
    %dma_wait3A_43 = arith.constant 0 : i32
    %dma_wait3A_44 = arith.constant 0 : i32
    %dma_wait3A_45 = tpu.memref_slice %arg6[%dma_wait3A_43, %dma_wait3A_44] : memref<8192x128xf32, #tpu.memory_space<vmem>> -> memref<512x128xf32, #tpu.memory_space<vmem>>
    tpu.wait_dma2 semaphore(%arg10 : memref<!tpu.dma_semaphore, #tpu.memory_space<semaphore_mem>>) src(%dma_wait3A_45 : memref<512x128xf32, #tpu.memory_space<vmem>>) dst(%dma_wait3A_42 : memref<512x128xf32, #tpu.memory_space<any>>)
    return
  }
}

</mosaic_0001>

<sc_bundles>
// kernel: sparse-core-data-format-call.cloned.1.call-start
scs
called_computation_lowered:
.L_overlay_start_0:
0x0: {  	s2 =	sld [smem:$0x3FD9]  }
0x1: {  	s3 =	sld [smem:$0x3FFE];
	_ =	sdelay $0x1  }
0x2: {  	s1 =	srdreg.scid  }
0x3: {  	s0 =	sand.u32 $0x1, s1  }
0x4: {  	s18 =	sshll.u32 s0, $0xA;
	s2 =	sadd.s32 s3, s2  }
0x5: {  	s2 =	sadd.s32 s2, s18  }
0x6: {  	[smem:$0x3FC7] =	sst s2  }
0x7: {  	_ = 	snop  }
0x8: {  	s2 =	sld [smem:$0x3FD0];
	(tm) =	ssettm $0x1  }
0x9: {  	s19 =	sld [smem:$0x3FFB];
	_ =	sdelay $0x3  }
0xa: {  	_ =	strace s19  }
0xb: {  	s3 =	sld [smem:$0x3FFC];
	_ =	sdelay $0x3  }
0xc: {  	_ =	strace s3  }
0xd: {  	s3 =	sld [smem:$0x3FFD];
	_ =	sdelay $0x3  }
0xe: {  	_ =	strace s3  }
0xf: {  	_ =	strace $0x8FFFFFFF  }
0x10: {  	s20 =	sld [smem:$0x3FDB];
	_ =	sdelay $0x1  }
0x11: {  	s4 =	simm.s32 $_scs_section_size  }
0x12: {  	s5 =	simm.s32 $_size__tile_overlayer_lowered;
	s6 =	simm.s32 $_tile_overlayer_lowered  }
0x13: {  	s23 =	simm.s32 $0x1BFF;
	s22 =	sshll.u32 s6, $0x1;
	s3 =	sadd.s32 s4, s20  }
0x14: {  	s7 =	simm.s32 $0x0;
	s21 =	sshll.u32 s5, $0x1;
	s5 =	sadd.s32 s22, s3  }
0x15: {  	[timem:s7], [sflag:s23] =	dma.local [hbm:s5], s21  }
0x16: {  	_ =	swait.ge [sflag:s23], s21  }
0x17: {  	s4 =	ssub.s32 $0x0, s21;
	[sflag:s23] =	ssyncset.done $0x0  }
0x18: {  	[sflag:s23] =	ssyncadd.s32 s4;
	_ =	sdelay $0x1  }
0x19: {  	s24 =	simm.s32 $0x1B8B  }
0x1a: {  	_ =	swait.ge [sflag:s24], $0x1  }
0x1b: {  	[sflag:s24] =	ssyncset.done $0x0  }
0x1c: {  	s26 =	simm.s32 $0x1B8E;
	s25 =	sld [smem:$0x3FFE];
	[sflag:s24] =	ssyncadd.s32 $0xFFFFFFFF  }
0x1d: {  	s27 =	simm.s32 $execute0_lowered;
	[smem:$0x3FD2] =	sst s26  }
0x1e: {  	s5 =	sshll.u32 s27, $0x1;
	_ =	strace $0x80000046;
	[dreg:$0x1] =	wrdreg $0xFFFFFFFF  }
0x1f: {  	s28 =	simm.s32 $_size_execute0_lowered;
	s3 =	sadd.s32 s3, s5;
	[dreg:$0x0] =	wrdreg $0x0  }
0x20: {  	s5 =	sshll.u32 s28, $0x1;
	[dreg:$0x2] =	wrdreg s3  }
0x21: {  	[dreg:$0x3] =	wrdreg s5  }
0x22: {  	[dreg:$0x4] =	wrdreg $0xC0  }
0x23: {  	_ =	task [dreg:s7], $0x5FFFF  }
0x24: {  	[dreg:$0x1] =	wrdreg $0xFFFFFFFF  }
0x25: {  	[dreg:$0x0] =	wrdreg $0x60  }
0x26: {  	[dreg:$0x2] =	wrdreg s25  }
0x27: {  	[dreg:$0x3] =	wrdreg s2  }
0x28: {  	[dreg:$0x4] =	wrdreg $0x9  }
0x29: {  	_ =	task.clear_ibuf [dreg:s7], $0x5FFFF;
	_ =	strace $0x90000046  }
0x2a: {  	s29 =	simm.s32 $0x9;
	_ =	strace $0x80000048  }
0x2b: {  	_ =	swait.ge [sflag:s29], $0x1  }
0x2c: {  	[sflag:s29] =	ssyncadd.s32 $0xFFFFFFFF  }
0x2d: {  	_ =	strace $0x90000048  }
0x2e: {  	_ =	sfence  }
0x2f: {  	s30 =	sld [smem:$0x0];
	_ =	sdelay $0x2  }
0x30: {  	s31 =	sshll.u32 s1, $0xD;
	s1 =	sshrl.u32 s1, $0x2  }
0x31: {  	s3 =	sand.u32 $0x4000, s31;
	s1 =	sadd.s32 s1, s30  }
0x32: {  	s0 =	sor.u32 s3, s0;
	s1 =	sshll.u32 s1, $0x11  }
0x33: {  	s0 =	sor.u32 s1, s0  }
0x34: {  	s0 =	sadd.s32 $0x8F2B, s0  }
0x35: {  	[sflag:s0] =	ssyncadd.remote.s32 $0x1  }
0x36: {  	_ =	sfence.sel $0xFFFF  }
0x37: {  	[dreg:$0x0] =	wrdreg $0xFFFFFFFF;
	(pc) =	sbr.abs _section_cstart, $3  }
0x38: {  	[dreg:$0x1] =	wrdreg $0xFFFFFFFF  }
0x39: {  	_ =	task.clear_ibuf [dreg:s7], $0x2FFFF;
	_ =	strace $0x9FFFFFFF  }
0x3a: {  	(tm) =	ssettm $0x7FFFFFFF  }
0x3b: {  	_ =	shalt  }
tec
execute0_lowered:
.L_overlay_start_1:
0x0: {  	(tag) =	ssettag $0x1  }
0x1: {  	s0 =	srdreg.scid  }
0x2: {  	s1 =	sshll.u32 s0, $0x4  }
0x3: {  	s4 =	rddreg [dreg:$0x0];
	s0 =	stileid.u32;
	s1 =	sand.u32 $0x10, s1  }
0x4: {  	s2 =	rddreg [dreg:$0x1];
	s7 =	simm.s32 $0x1;
	s1 =	sor.u32 s0, s1  }
0x5: {  	s8 =	simm.s32 $0x2;
	s11 =	simm.s32 $0x0;
	s3 =	sshll.u32 s1, $0x7  }
0x6: {  	s10 =	simm.s32 $0x0;
	s4 =	sadd.s32 $0x400, s4;
	s6 =	ssub.s32 $0x1E8480, s3  }
.Ltmp0:
0x7: {  	s1 =	rddreg [dreg:$0x2];
	s5 =	sand.u32 $0xF80, s6;
	(pc) =	sbr.rel .LBB1_1-.Ltmp0, $4  }
0x8: {  	_ =	strace $0x80000047;
	s9 =	smov.u32 s3;
	p0 =	sne.s32 s5, $0x0  }
0x9: {  	s6 =	sshrl.u32 s6, $0xC;
	s5 =	simm.s32 $0x1;
	s7 =	simm.s32 @!p0 $0x0  }
0xa: {  	[sflag:s5] =	ssyncpa.u1 $0x0;
	p0 =	por $0x0, $0x0;
	s6 =	sadd.s32 s7, s6  }
0xb: {  	[sflag:s8] =	ssyncpa.u1 $0x0;
	s8 =	simm.s32 $0xF42400;
	s7 =	sadd.s32 $0x1, s6  }
.LBB1_4:
0xc: {  	s14 =	sshll.u32 s11, $0x3  }
0xd: {  	s30 =	sand.u32 $0x7F, s11;
	s14 =	sand.u32 $0xFFFFFC00, s14  }
0xe: {  	s11 =	sor.u32 s30, s14  }
0xf: {  	s15 =	smulhi.u32 $0x431BDE83, s11;
	_ =	sdelay $0x1  }
0x10: {  	s14 =	smulhi.u32 $0x431BDE83, s14;
	s15 =	sshrl.u32 s15, $0x13  }
0x11: {  	s15 =	smul.u32 $0x1E8480, s15  }
0x12: {  	s14 =	sshrl.u32 s14, $0x13  }
0x13: {  	s14 =	sand.u32 $0x3F, s14;
	s11 =	ssub.s32 s11, s15  }
0x14: {  	[tilespmem:s13+$0x810 ss:$0x81] =	vst.msk $0xffff, v2;
	s14 =	smul.u32 $0x3D090, s14;
	s15 =	sshrl.u32 s11, $0x3;
	s11 =	sand.u32 $0x7, s11  }
0x15: {  	[tilespmem:s13+$0x1020 ss:$0x81] =	vst.msk $0xffff, v0;
	s15 =	sadd.s32 s2, s15;
	s11 =	sshll.u32 s11, $0x12  }
0x16: {  	[tilespmem:s13+$0x0 ss:$0x81] =	vst.msk $0xffff, v1;
	s31 =	sadd.s32 s14, s15;
	s11 =	sor.u32 $0x400, s11  }
0x17: {  	[hbm4b:s31+s11] =	stream.strided.scatter [tilespmem:s12], [sflag:$0x2], $0x2000, s8, s11, $0x20;
	[tilespmem:$0x8080] =	vst v63  }
.LBB1_5:
0x18: {  	s13 =	sadd.s32 $0x1000, s9  }
0x19: {  	p2 =	sgt.s32 s13, $0x1E847F  }
0x1a: {  	s13 =	smov.u32 @p2 s3;
	p2 =	sne.s32 s10, s7  }
.Ltmp1:
0x1b: {  	p1 =	slt.u32 s10, $0x2;
	(pc) =	sbr.rel @!p2 .LBB1_6-.Ltmp1, $4  }
0x1c: {  	s12 =	simm.s32 @!p1 $0x2  }
0x1d: {  	s14 =	sadd.s32 $0x1, s10;
	_ =	swait.ge @!p1 [sflag:s12], $0x2000  }
0x1e: {  	s11 =	smov.u32 s9;
	p0 =	por !p0, !p0;
	[sflag:s12] =	ssyncset.done @!p1 $0x0  }
0x1f: {  	s10 =	smov.u32 s14;
	s9 =	smov.u32 s13;
	[sflag:s12] =	ssyncadd.s32 @!p1 $0xFFFFE000  }
.LBB1_1:
0x20: {  	p1 =	sge.u32 s10, s6  }
0x21: {  	s12 =	sand.u32 @!p1 $0x1FFFFFF, s9  }
0x22: {  	s13 =	smulhi.u32 @!p1 $0x218DEF5, s12;
	_ =	sdelay $0x1  }
0x23: {  	s13 =	sshrl.u32 @!p1 s13, $0xE  }
0x24: {  	s13 =	smul.u32 @!p1 $0x1E8480, s13;
	_ =	sdelay $0x1  }
0x25: {  	s31 =	sadd.s32 $0xFFFFFFFF, s10;
	s14 =	sxor.u32 @!p1 $0xFFFFFFFF, s10;
	s12 =	ssub.s32 @!p1 s12, s13  }
0x26: {  	s15 =	simm.s32 @!p1 $0x80;
	s14 =	sshll.u32 @!p1 s14, $0xD;
	s12 =	sshll.u32 @!p1 s12, $0x4  }
0x27: {  	s13 =	sand.u32 @!p1 $0x2000, s14;
	s14 =	simm.s32 @!p1 $0x40;
	s12 =	sadd.s32 @!p1 s4, s12  }
0x28: {  	[tilespmem:s13], [sflag:$0x1] =	stream.strided.gather @!p1 [hbm4b:s12+s14], $0x2000, s15, s14, $0x38;
	[tilespmem:$0x8080] =	vst v63  }
0x29: {  	p1 =	sge.u32 s31, s6  }
.Ltmp2:
0x2a: {  	_ = 	snop;
	(pc) =	sbr.rel @p1 .LBB1_5-.Ltmp2, $1  }
0x2b: {  	_ =	sdelay $0x3  }
0x2c: {  	s12 =	simm.s32 $0x1  }
0x2d: {  	_ =	swait.ge [sflag:s5], $0x2000;
	s12 =	simm.s32 @!p0 $0x0  }
0x2e: {  	[sflag:s5] =	ssyncset.done $0x0;
	s13 =	sshll.u32 s12, $0xD  }
0x2f: {  	[sflag:s5] =	ssyncadd.s32 $0xFFFFE000;
	s16 =	sor.u32 $0x20, s13  }
0x30: {  	s12 =	smul.u32 $0x8100, s12;
	v3 =	vld [tilespmem:s16+$0x10]  }
0x31: {  	s30 =	sand.u32 $0x1, s10;
	v2 =	vld [tilespmem:s16+$0xFFFFFFF0]  }
0x32: {  	s13 =	smul.u32 $0x8100, s30;
	s12 =	sshrl.u32 s12, $0x2;
	v0 =	vld [tilespmem:s16+$0x0]  }
0x33: {  	v1 =	vld [tilespmem:s16+$0xFFFFFFE0];
	s14 =	sor.u32 $0x4000, s12  }
0x34: {  	s31 =	sshrl.u32 s13, $0x2;
	s13 =	sadd.s32 $0x0, s14  }
0x35: {  	s15 =	simm.s32 $0x4;
	s16 =	sadd.s32 $0x40, s16;
	s12 =	sor.u32 $0x4000, s31;
	[tilespmem:s13+$0x1830 ss:$0x81] =	vst.msk $0xffff, v3  }
.LBB1_3:
0x36: {  	v3 =	vld [tilespmem:s16+$0x10];
	p1 =	sne.s32 s15, $0x1FC;
	[tilespmem:s13+$0x810 ss:$0x81] =	vst.msk $0xffff, v2;
	s17 =	smov.u32 s15;
	s15 =	sadd.s32 $0x4, s15  }
.Ltmp3:
0x37: {  	v2 =	vld [tilespmem:s16+$0xFFFFFFF0];
	[tilespmem:s13+$0x1020 ss:$0x81] =	vst.msk $0xffff, v0;
	(pc) =	sbr.rel @p1 .LBB1_3-.Ltmp3, $4  }
0x38: {  	v0 =	vld [tilespmem:s16+$0x0];
	[tilespmem:s13+$0x0 ss:$0x81] =	vst.msk $0xffff, v1  }
0x39: {  	s13 =	sshra.s32 s17, $0x2;
	v1 =	vld [tilespmem:s16+$0xFFFFFFE0]  }
0x3a: {  	s13 =	sadd.s32 s13, s14  }
0x3b: {  	s16 =	sadd.s32 $0x40, s16;
	[tilespmem:s13+$0x1830 ss:$0x81] =	vst.msk $0xffff, v3  }
.Ltmp4:
0x3c: {  	_ = 	snop;
	(pc) =	sbr.rel .LBB1_4-.Ltmp4, $1  }
0x3d: {  	_ =	sdelay $0x3  }
.LBB1_6:
0x3e: {  	_ =	sfence.sel $0x180000  }
0x3f: {  	s2 =	simm.s32 $0x1;
	[bflag:$0x0] =	sbarrier.arrive $0xFFFF  }
0x40: {  	s31 =	simm.s32 $0x2;
	[sflag:s2] =	ssyncpa.u1 $0x1  }
0x41: {  	[sflag:s31] =	ssyncpa.u1 $0x1  }
0x42: {  	p0 =	sne.s32 s0, $0x0;
	_ =	strace $0x90000047  }
0x43: {  	s0 =	sadd.s32 @!p0 $0x100000, s1;
	[bflag:$0x2] =	sbarrier.arrive $0xFFFF  }
0x44: {  	[sflag:s0] =	ssyncadd.tile.s32 @!p0 $0x1;
	_ =	shalt  }
.Lfunc_end1:
_tile_overlayer_lowered:
.L_overlay_start_2:
0x45: {  	(tag) =	ssettag $0x2  }
0x46: {  	s0 =	rddreg [dreg:$0x0];
	s2 =	stileid.u32  }
0x47: {  	s1 =	rddreg [dreg:$0x1];
	p0 =	sne.s32 s2, $0x0  }
0x48: {  	s3 =	rddreg [dreg:$0x2];
	[bflag:$0x3] =	sbarrier.arrive $0xFFFF;
	s2 =	simm.s32 @!p0 $0x1C01  }
0x49: {  	[timem:s3], [sflag:s2] =	dma.local @!p0 [hbm:s0], s1  }
0x4a: {  	s0 =	simm.s32 @!p0 $0x1  }
0x4b: {  	_ =	swait.ge @!p0 [sflag:s0], s1  }
0x4c: {  	s1 =	ssub.s32 @!p0 $0x0, s1;
	[sflag:s0] =	ssyncset.done @!p0 $0x0  }
0x4d: {  	[sflag:s0] =	ssyncadd.s32 @!p0 s1  }
0x4e: {  	[bflag:$0x3] =	sbarrier.arrive $0xFFFF  }
0x4f: {  	_ =	shalt  }

</sc_bundles>
